<compile_context>
chip_gen: v7x
topology: tpu7x:2x2x1
jax: 0.10.2.dev20260603
libtpu: 0.0.44.dev20260713+nightly
codegen_flags: <defaults>
</compile_context>

<pallas_src>
import functools

import jax
import jax.numpy as jnp
from jax import lax
from jax.experimental import pallas as pl
from jax.experimental.pallas import tpu as pltpu
from jax.experimental.pallas import tpu_sc as plsc

N_TILE = 1024
K_CHUNK = 4096


def _argmin_body(xt_ref, wneg_ref, xsq_ref, esq_ref, out_ref):
    xt = xt_ref[...]
    xsq = xsq_ref[...]
    K = wneg_ref.shape[1]
    nt = xt.shape[0]
    run_min = jnp.full((nt, 1), jnp.inf, jnp.float32)
    run_idx = jnp.zeros((nt, 1), jnp.float32)
    for c in range(K // K_CHUNK):
        w_c = wneg_ref[:, c * K_CHUNK:(c + 1) * K_CHUNK]
        esq_c = esq_ref[:, c * K_CHUNK:(c + 1) * K_CHUNK]
        cross = jnp.dot(xt, w_c, preferred_element_type=jnp.float32)
        t = (xsq + cross) + esq_c
        m = jnp.maximum(t, 1e-12)
        dist = m * lax.rsqrt(m)
        cmin = jnp.min(dist, axis=1, keepdims=True)
        iota = lax.broadcasted_iota(jnp.int32, dist.shape, 1).astype(jnp.float32)
        cidx = jnp.min(jnp.where(dist == cmin, iota, float(K)), axis=1,
                       keepdims=True) + float(c * K_CHUNK)
        upd = (cmin < run_min) | ((cmin == run_min) & (cidx < run_idx))
        run_idx = jnp.where(upd, cidx, run_idx)
        run_min = jnp.where(upd, cmin, run_min)
        run_min = run_min.astype(jnp.bfloat16).astype(jnp.float32)
    out_ref[...] = run_idx.astype(jnp.int32)


def _argmin_call(xt, wneg, xsq, esq, interpret=False):
    N, d = xt.shape
    K = wneg.shape[1]
    return pl.pallas_call(
        _argmin_body,
        grid=(N // N_TILE,),
        in_specs=[
            pl.BlockSpec((N_TILE, d), lambda i: (i, 0)),
            pl.BlockSpec((d, K), lambda i: (0, 0)),
            pl.BlockSpec((N_TILE, 1), lambda i: (i, 0)),
            pl.BlockSpec((1, K), lambda i: (0, 0)),
        ],
        out_specs=pl.BlockSpec((N_TILE, 1), lambda i: (i, 0)),
        out_shape=jax.ShapeDtypeStruct((N, 1), jnp.int32),
        interpret=interpret,
    )(xt, wneg, xsq, esq)


@functools.cache
def _make_sc_gather(V, D, B_):
    info = plsc.get_sparse_core_info()
    NW = info.num_cores * info.num_subcores
    b_per_w = B_ // NW
    chunk = 128
    n_chunks = b_per_w // chunk
    mesh = plsc.VectorSubcoreMesh(core_axis_name="c", subcore_axis_name="s")

    @functools.partial(
        pl.kernel, mesh=mesh,
        out_type=jax.ShapeDtypeStruct((B_, D), jnp.float32),
        scratch_types=[
            pltpu.VMEM((n_chunks, chunk), jnp.int32),
            pltpu.VMEM((b_per_w, D), jnp.float32),
            pltpu.SemaphoreType.DMA,
        ],
    )
    def gk(table_hbm, idx_hbm, out_hbm, idx_v, rows_v, sem):
        wid = lax.axis_index("s") * info.num_cores + lax.axis_index("c")
        base = wid * b_per_w
        pltpu.sync_copy(idx_hbm.at[pl.ds(wid * n_chunks, n_chunks)], idx_v)
        copies = []
        for j in range(n_chunks):
            copies.append(pltpu.async_copy(
                table_hbm.at[idx_v.at[j]],
                rows_v.at[pl.ds(j * chunk, chunk)], sem))
        for cp in copies:
            cp.wait()
        pltpu.sync_copy(rows_v, out_hbm.at[pl.ds(base, b_per_w)])

    return gk


def kernel(x, weight):
    B, d = x.shape[0], x.shape[1]
    spatial = x.shape[2:]
    K = weight.shape[1]
    xt = jnp.transpose(x, (0, 2, 3, 1)).reshape(-1, d)
    N = xt.shape[0]
    xsq = jnp.sum(xt * xt, axis=1, keepdims=True)
    esq = jnp.sum(weight * weight, axis=0, keepdims=True)
    wneg = -2.0 * weight
    amin = _argmin_call(xt, wneg, xsq, esq)
    amin_flat = amin.reshape(N)
    dp = max(128, ((d + 127) // 128) * 128)
    wt = jnp.pad(weight.T, ((0, 0), (0, dp - d)))
    idx2d = amin_flat.reshape(N // 128, 128)
    gathered = _make_sc_gather(K, dp, N)(wt, idx2d)
    result_flat = gathered[:, :d]
    result = jnp.transpose(result_flat.reshape(B, *spatial, d), (0, 3, 1, 2))
    return result, amin_flat.reshape(B, *spatial)

# --- scband reference (transcript-rebuilt; emitter-appended) ---
"""Pipeline reference for scband-nearest-embed-58523224375336 (READ-ONLY COPY).

The authoritative reference and input builder live on the scoring server;
editing this copy changes nothing except your own understanding.
"""

import jax, jax.numpy as jnp
import numpy as np


def setup_inputs(seed: int = 0) -> dict:
    key = jax.random.key(seed)
    k1, k2 = jax.random.split(key)
    x = jax.random.normal(k1, (8, 64, 32, 32), dtype=jnp.float32)
    # NearestEmbed parameter: weight has shape [d, k], init uniform(-1/k, 1/k)
    K = 8192
    d = 64
    weight = jax.random.uniform(k2, (d, K), dtype=jnp.float32, minval=-1.0 / K, maxval=1.0 / K)
    return {"x": x, "weight": weight}


def reference(x, weight):
    # x: [B, d, H, W]; weight: [d, K]
    B, d = x.shape[0], x.shape[1]
    spatial = x.shape[2:]
    K = weight.shape[1]
    # Flatten tokens to [B*HW, d] (equivalent to the permute in torch code)
    xt = jnp.transpose(x, (0, 2, 3, 1)).reshape(-1, d)
    # dist[n, j] = ||x_n - e_j||_2 ; computed via expansion (same math as torch.norm of diff)
    x_sq = jnp.sum(xt * xt, axis=1, keepdims=True)              # [N, 1]
    e_sq = jnp.sum(weight * weight, axis=0, keepdims=True)      # [1, K]
    cross = xt @ weight                                          # [N, K]
    dist = jnp.sqrt(jnp.maximum(x_sq - 2.0 * cross + e_sq, 1e-12))
    argmin = jnp.argmin(dist, axis=-1)                           # [N]
    # gather nearest embedding vectors: emb.t().index_select(0, argmin)
    result_flat = jnp.take(weight.T, argmin, axis=0)             # [N, d]
    result = result_flat.reshape(B, *spatial, d)
    result = jnp.transpose(result, (0, 3, 1, 2))                 # [B, d, H, W]
    argmin_out = argmin.reshape(B, *spatial)                     # [B, H, W]
    return result, argmin_out

if __name__ == "__main__":
    import jax
    _d = setup_inputs()
    print(jax.jit(kernel)(*tuple(_d.values())))

</pallas_src>

<mosaic_0001>
#map = affine_map<(d0, d1) -> (0, 0)>
module attributes {stable_mosaic.version = 14 : i64} {
  func.func @gk(%arg0: i32, %arg1: i32, %arg2: memref<8192x128xf32, #tpu.memory_space<hbm>>, %arg3: memref<64x128xi32, #tpu.memory_space<hbm>>, %arg4: memref<8192x128xf32, #tpu.memory_space<hbm>>, %arg5: memref<2x128xi32, #tpu.memory_space<vmem>>, %arg6: memref<256x128xf32, #tpu.memory_space<vmem>>, %arg7: memref<!tpu.dma_semaphore, #tpu.memory_space<semaphore_mem>>) attributes {dimension_semantics = [#tpu.dimension_semantics<core_parallel>, #tpu.dimension_semantics<subcore_parallel>], iteration_bounds = array<i64: 2, 16>, scalar_prefetch = 0 : i64, scratch_operands = 3 : i64, tpu.core_type = #tpu.core_type<sc_vector_subcore>, window_params = [{transform_indices = #map}, {transform_indices = #map}, {transform_indices = #map}]} {
    %mul3A = arith.constant 2 : i32
    %mul3A_0 = arith.muli %arg1, %mul3A : i32
    %add3A = arith.addi %mul3A_0, %arg0 : i32
    %mul3A_1 = arith.constant 256 : i32
    %mul3A_2 = arith.muli %add3A, %mul3A_1 : i32
    %mul3A_3 = arith.constant 2 : i32
    %mul3A_4 = arith.muli %add3A, %mul3A_3 : i32
    "tpu.region"() ({
      %run_scoped3A = tpu.sem_alloc : memref<!tpu.dma_semaphore, #tpu.memory_space<semaphore_mem>>
      %dma_start3A_43 = arith.constant 0 : i32
      %dma_start3A_44 = tpu.memref_slice %arg3[%mul3A_4, %dma_start3A_43] : memref<64x128xi32, #tpu.memory_space<hbm>> -> memref<2x128xi32, #tpu.memory_space<hbm>>
      %dma_start3A_45 = arith.constant 0 : i32
      %dma_start3A_46 = tpu.memref_slice %arg3[%mul3A_4, %dma_start3A_45] : memref<64x128xi32, #tpu.memory_space<hbm>> -> memref<2x128xi32, #tpu.memory_space<hbm>>
      tpu.enqueue_dma source(%dma_start3A_46 : memref<2x128xi32, #tpu.memory_space<hbm>>) target(%arg5 : memref<2x128xi32, #tpu.memory_space<vmem>>) target_semaphore(%run_scoped3A : memref<!tpu.dma_semaphore, #tpu.memory_space<semaphore_mem>>)
      %dma_wait3A_47 = arith.constant 0 : i32
      %dma_wait3A_48 = tpu.memref_slice %arg3[%mul3A_4, %dma_wait3A_47] : memref<64x128xi32, #tpu.memory_space<hbm>> -> memref<2x128xi32, #tpu.memory_space<hbm>>
      %dma_wait3A_49 = arith.constant 0 : i32
      %dma_wait3A_50 = tpu.memref_slice %arg3[%mul3A_4, %dma_wait3A_49] : memref<64x128xi32, #tpu.memory_space<hbm>> -> memref<2x128xi32, #tpu.memory_space<hbm>>
      tpu.wait_dma2 semaphore(%run_scoped3A : memref<!tpu.dma_semaphore, #tpu.memory_space<semaphore_mem>>) src(%dma_wait3A_50 : memref<2x128xi32, #tpu.memory_space<hbm>>) dst(%arg5 : memref<2x128xi32, #tpu.memory_space<vmem>>)
      tpu.yield
    }) : () -> ()
    %dma_start3A = arith.constant 0 : i32
    %dma_start3A_5 = arith.constant 0 : i32
    %dma_start3A_6 = arith.constant 0 : i32
    %dma_start3A_7 = tpu.memref_slice %arg6[%dma_start3A_5, %dma_start3A_6] : memref<256x128xf32, #tpu.memory_space<vmem>> -> memref<128x128xf32, #tpu.memory_space<vmem>>
    %dma_start3A_8 = arith.constant 0 : i32
    %dma_start3A_9 = tpu.memref_slice %arg5[%dma_start3A, %dma_start3A_8] : memref<2x128xi32, #tpu.memory_space<vmem>> -> memref<1x128xi32, #tpu.memory_space<vmem>>
    %dma_start3A_10 = tpu.memref_squeeze %dma_start3A_9 : memref<1x128xi32, #tpu.memory_space<vmem>> -> memref<128xi32, #tpu.memory_space<vmem>>
    %dma_start3A_11 = arith.constant 0 : i32
    %dma_start3A_12 = arith.constant 0 : i32
    %dma_start3A_13 = tpu.memref_slice %arg2[%dma_start3A_11, %dma_start3A_12] : memref<8192x128xf32, #tpu.memory_space<hbm>> -> memref<8192x128xf32, #tpu.memory_space<hbm>>
    tpu.enqueue_indirect_dma source(%dma_start3A_13 : memref<8192x128xf32, #tpu.memory_space<hbm>>) target(%dma_start3A_7 : memref<128x128xf32, #tpu.memory_space<vmem>>) offsets(%dma_start3A_10 : memref<128xi32, #tpu.memory_space<vmem>>) semaphore(%arg7 : memref<!tpu.dma_semaphore, #tpu.memory_space<semaphore_mem>>)
    %dma_start3A_14 = arith.constant 1 : i32
    %dma_start3A_15 = arith.constant 128 : i32
    %dma_start3A_16 = arith.constant 0 : i32
    %dma_start3A_17 = tpu.memref_slice %arg6[%dma_start3A_15, %dma_start3A_16] : memref<256x128xf32, #tpu.memory_space<vmem>> -> memref<128x128xf32, #tpu.memory_space<vmem>>
    %dma_start3A_18 = arith.constant 0 : i32
    %dma_start3A_19 = tpu.memref_slice %arg5[%dma_start3A_14, %dma_start3A_18] : memref<2x128xi32, #tpu.memory_space<vmem>> -> memref<1x128xi32, #tpu.memory_space<vmem>>
    %dma_start3A_20 = tpu.memref_squeeze %dma_start3A_19 : memref<1x128xi32, #tpu.memory_space<vmem>> -> memref<128xi32, #tpu.memory_space<vmem>>
    %dma_start3A_21 = arith.constant 0 : i32
    %dma_start3A_22 = arith.constant 0 : i32
    %dma_start3A_23 = tpu.memref_slice %arg2[%dma_start3A_21, %dma_start3A_22] : memref<8192x128xf32, #tpu.memory_space<hbm>> -> memref<8192x128xf32, #tpu.memory_space<hbm>>
    tpu.enqueue_indirect_dma source(%dma_start3A_23 : memref<8192x128xf32, #tpu.memory_space<hbm>>) target(%dma_start3A_17 : memref<128x128xf32, #tpu.memory_space<vmem>>) offsets(%dma_start3A_20 : memref<128xi32, #tpu.memory_space<vmem>>) semaphore(%arg7 : memref<!tpu.dma_semaphore, #tpu.memory_space<semaphore_mem>>)
    %dma_wait3A = arith.constant 0 : i32
    %dma_wait3A_24 = arith.constant 0 : i32
    %dma_wait3A_25 = arith.constant 0 : i32
    %dma_wait3A_26 = tpu.memref_slice %arg6[%dma_wait3A_24, %dma_wait3A_25] : memref<256x128xf32, #tpu.memory_space<vmem>> -> memref<128x128xf32, #tpu.memory_space<vmem>>
    %dma_wait3A_27 = arith.constant 0 : i32
    %dma_wait3A_28 = tpu.memref_slice %arg5[%dma_wait3A, %dma_wait3A_27] : memref<2x128xi32, #tpu.memory_space<vmem>> -> memref<1x128xi32, #tpu.memory_space<vmem>>
    %dma_wait3A_29 = tpu.memref_squeeze %dma_wait3A_28 : memref<1x128xi32, #tpu.memory_space<vmem>> -> memref<128xi32, #tpu.memory_space<vmem>>
    %dma_wait3A_30 = arith.constant 0 : i32
    %dma_wait3A_31 = arith.constant 0 : i32
    %dma_wait3A_32 = tpu.memref_slice %arg2[%dma_wait3A_30, %dma_wait3A_31] : memref<8192x128xf32, #tpu.memory_space<hbm>> -> memref<8192x128xf32, #tpu.memory_space<hbm>>
    tpu.wait_indirect_dma semaphore(%arg7 : memref<!tpu.dma_semaphore, #tpu.memory_space<semaphore_mem>>) src(%dma_wait3A_32 : memref<8192x128xf32, #tpu.memory_space<hbm>>) dst(%dma_wait3A_26 : memref<128x128xf32, #tpu.memory_space<vmem>>)
    %dma_wait3A_33 = arith.constant 1 : i32
    %dma_wait3A_34 = arith.constant 128 : i32
    %dma_wait3A_35 = arith.constant 0 : i32
    %dma_wait3A_36 = tpu.memref_slice %arg6[%dma_wait3A_34, %dma_wait3A_35] : memref<256x128xf32, #tpu.memory_space<vmem>> -> memref<128x128xf32, #tpu.memory_space<vmem>>
    %dma_wait3A_37 = arith.constant 0 : i32
    %dma_wait3A_38 = tpu.memref_slice %arg5[%dma_wait3A_33, %dma_wait3A_37] : memref<2x128xi32, #tpu.memory_space<vmem>> -> memref<1x128xi32, #tpu.memory_space<vmem>>
    %dma_wait3A_39 = tpu.memref_squeeze %dma_wait3A_38 : memref<1x128xi32, #tpu.memory_space<vmem>> -> memref<128xi32, #tpu.memory_space<vmem>>
    %dma_wait3A_40 = arith.constant 0 : i32
    %dma_wait3A_41 = arith.constant 0 : i32
    %dma_wait3A_42 = tpu.memref_slice %arg2[%dma_wait3A_40, %dma_wait3A_41] : memref<8192x128xf32, #tpu.memory_space<hbm>> -> memref<8192x128xf32, #tpu.memory_space<hbm>>
    tpu.wait_indirect_dma semaphore(%arg7 : memref<!tpu.dma_semaphore, #tpu.memory_space<semaphore_mem>>) src(%dma_wait3A_42 : memref<8192x128xf32, #tpu.memory_space<hbm>>) dst(%dma_wait3A_36 : memref<128x128xf32, #tpu.memory_space<vmem>>)
    "tpu.region"() ({
      %run_scoped3A = tpu.sem_alloc : memref<!tpu.dma_semaphore, #tpu.memory_space<semaphore_mem>>
      %dma_start3A_43 = arith.constant 0 : i32
      %dma_start3A_44 = tpu.memref_slice %arg4[%mul3A_2, %dma_start3A_43] : memref<8192x128xf32, #tpu.memory_space<hbm>> -> memref<256x128xf32, #tpu.memory_space<hbm>>
      %dma_start3A_45 = arith.constant 0 : i32
      %dma_start3A_46 = tpu.memref_slice %arg4[%mul3A_2, %dma_start3A_45] : memref<8192x128xf32, #tpu.memory_space<hbm>> -> memref<256x128xf32, #tpu.memory_space<hbm>>
      tpu.enqueue_dma source(%arg6 : memref<256x128xf32, #tpu.memory_space<vmem>>) target(%dma_start3A_46 : memref<256x128xf32, #tpu.memory_space<hbm>>) target_semaphore(%run_scoped3A : memref<!tpu.dma_semaphore, #tpu.memory_space<semaphore_mem>>)
      %dma_wait3A_47 = arith.constant 0 : i32
      %dma_wait3A_48 = tpu.memref_slice %arg4[%mul3A_2, %dma_wait3A_47] : memref<8192x128xf32, #tpu.memory_space<hbm>> -> memref<256x128xf32, #tpu.memory_space<hbm>>
      %dma_wait3A_49 = arith.constant 0 : i32
      %dma_wait3A_50 = tpu.memref_slice %arg4[%mul3A_2, %dma_wait3A_49] : memref<8192x128xf32, #tpu.memory_space<hbm>> -> memref<256x128xf32, #tpu.memory_space<hbm>>
      tpu.wait_dma2 semaphore(%run_scoped3A : memref<!tpu.dma_semaphore, #tpu.memory_space<semaphore_mem>>) src(%arg6 : memref<256x128xf32, #tpu.memory_space<vmem>>) dst(%dma_wait3A_50 : memref<256x128xf32, #tpu.memory_space<hbm>>)
      tpu.yield
    }) : () -> ()
    return
  }
}

module attributes {stable_mosaic.version = 14 : i64} {
  func.func @_argmin_body(%arg0: i32, %arg1: memref<1024x64xf32, #tpu.memory_space<vmem>>, %arg2: memref<64x8192xf32, #tpu.memory_space<vmem>>, %arg3: memref<1024x1xf32, #tpu.memory_space<vmem>>, %arg4: memref<1x8192xf32, #tpu.memory_space<vmem>>, %arg5: memref<1024x1xi32, #tpu.memory_space<vmem>>) attributes {dimension_semantics = [#tpu.dimension_semantics<arbitrary>], iteration_bounds = array<i64: 8>, scalar_prefetch = 0 : i64, scratch_operands = 0 : i64, tpu.core_type = #tpu.core_type<tc>, window_params = [{transform_indices = @transform_0, window_bounds = array<i64: 1024, 64>}, {pipeline_mode = #tpu.pipeline_mode<synchronous>, transform_indices = @transform_1, window_bounds = array<i64: 64, 8192>}, {transform_indices = @transform_2, window_bounds = array<i64: 1024, 1>}, {pipeline_mode = #tpu.pipeline_mode<synchronous>, transform_indices = @transform_3, window_bounds = array<i64: 1, 8192>}, {transform_indices = @transform_4, window_bounds = array<i64: 1024, 1>}]} {
    %get3A = arith.constant 0 : index
    %get3A_0 = arith.constant 0 : index
    %get3A_1 = vector.load %arg1[%get3A, %get3A_0] : memref<1024x64xf32, #tpu.memory_space<vmem>>, vector<1024x64xf32>
    %get3A_2 = arith.constant 0 : index
    %get3A_3 = arith.constant 0 : index
    %get3A_4 = vector.load %arg3[%get3A_2, %get3A_3] : memref<1024x1xf32, #tpu.memory_space<vmem>>, vector<1024x1xf32>
    %broadcast_in_dim3A = arith.constant 0x7F800000 : f32
    %broadcast_in_dim3A_5 = vector.broadcast %broadcast_in_dim3A : f32 to vector<1024x1xf32>
    %broadcast_in_dim3A_6 = arith.constant 0.000000e+00 : f32
    %broadcast_in_dim3A_7 = vector.broadcast %broadcast_in_dim3A_6 : f32 to vector<1024x1xf32>
    %get3A_8 = arith.constant 0 : index
    %get3A_9 = arith.constant 0 : index
    %get3A_10 = vector.load %arg2[%get3A_8, %get3A_9] : memref<64x8192xf32, #tpu.memory_space<vmem>>, vector<64x4096xf32>
    %get3A_11 = arith.constant 0 : index
    %get3A_12 = arith.constant 0 : index
    %get3A_13 = vector.load %arg4[%get3A_11, %get3A_12] : memref<1x8192xf32, #tpu.memory_space<vmem>>, vector<1x4096xf32>
    %dot_general3A = arith.constant dense<0.000000e+00> : vector<1024x4096xf32>
    %dot_general3A_14 = tpu.matmul %get3A_1, %get3A_10, %dot_general3A {dimension_numbers = #tpu.dot_dimension_numbers<[1], [0], [0], [1], [0, 0, 1, 1], [], []>, transpose_lhs_hint = false} : vector<1024x64xf32>, vector<64x4096xf32>, vector<1024x4096xf32> -> vector<1024x4096xf32>
    %add3A = vector.broadcast %get3A_4 : vector<1024x1xf32> to vector<1024x4096xf32>
    %add3A_15 = arith.addf %add3A, %dot_general3A_14 : vector<1024x4096xf32>
    %add3A_16 = vector.broadcast %get3A_13 : vector<1x4096xf32> to vector<1024x4096xf32>
    %add3A_17 = arith.addf %add3A_15, %add3A_16 : vector<1024x4096xf32>
    %max3A = arith.constant 9.99999996E-13 : f32
    %max3A_18 = vector.broadcast %max3A : f32 to vector<1024x4096xf32>
    %max3A_19 = arith.maximumf %add3A_17, %max3A_18 : vector<1024x4096xf32>
    %rsqrt3A = math.rsqrt %max3A_19 : vector<1024x4096xf32>
    %mul3A = arith.mulf %max3A_19, %rsqrt3A : vector<1024x4096xf32>
    %reduce_min3A = arith.constant dense<0x7F800000> : vector<1024xf32>
    %reduce_min3A_20 = vector.multi_reduction <minimumf>, %mul3A, %reduce_min3A [1] : vector<1024x4096xf32> to vector<1024xf32>
    %broadcast_in_dim3A_21 = vector.shape_cast %reduce_min3A_20 : vector<1024xf32> to vector<1024x1xf32>
    %iota3A = tpu.iota {dimensions = array<i32: 1>} : vector<1024x4096xi32>
    %convert_element_type3A = arith.sitofp %iota3A : vector<1024x4096xi32> to vector<1024x4096xf32>
    %eq3A = vector.broadcast %broadcast_in_dim3A_21 : vector<1024x1xf32> to vector<1024x4096xf32>
    %eq3A_22 = arith.cmpf oeq, %mul3A, %eq3A : vector<1024x4096xf32>
    %jit3A = arith.constant 8.192000e+03 : f32
    %broadcast_in_dim3A_23 = vector.broadcast %jit3A : f32 to vector<1024x4096xf32>
    %select_n3A = arith.select %eq3A_22, %convert_element_type3A, %broadcast_in_dim3A_23 : vector<1024x4096xi1>, vector<1024x4096xf32>
    %reduce_min3A_24 = arith.constant dense<0x7F800000> : vector<1024xf32>
    %reduce_min3A_25 = vector.multi_reduction <minimumf>, %select_n3A, %reduce_min3A_24 [1] : vector<1024x4096xf32> to vector<1024xf32>
    %broadcast_in_dim3A_26 = vector.shape_cast %reduce_min3A_25 : vector<1024xf32> to vector<1024x1xf32>
    %add3A_27 = arith.constant 0.000000e+00 : f32
    %add3A_28 = vector.broadcast %add3A_27 : f32 to vector<1024x1xf32>
    %add3A_29 = arith.addf %broadcast_in_dim3A_26, %add3A_28 : vector<1024x1xf32>
    %lt3A = arith.cmpf olt, %broadcast_in_dim3A_21, %broadcast_in_dim3A_5 : vector<1024x1xf32>
    %eq3A_30 = arith.cmpf oeq, %broadcast_in_dim3A_21, %broadcast_in_dim3A_5 : vector<1024x1xf32>
    %lt3A_31 = arith.cmpf olt, %add3A_29, %broadcast_in_dim3A_7 : vector<1024x1xf32>
    %and3A = arith.andi %eq3A_30, %lt3A_31 : vector<1024x1xi1>
    %or3A = arith.ori %lt3A, %and3A : vector<1024x1xi1>
    %select_n3A_32 = arith.select %or3A, %add3A_29, %broadcast_in_dim3A_7 : vector<1024x1xi1>, vector<1024x1xf32>
    %select_n3A_33 = arith.select %or3A, %broadcast_in_dim3A_21, %broadcast_in_dim3A_5 : vector<1024x1xi1>, vector<1024x1xf32>
    %convert_element_type3A_34 = arith.truncf %select_n3A_33 : vector<1024x1xf32> to vector<1024x1xbf16>
    %convert_element_type3A_35 = arith.extf %convert_element_type3A_34 : vector<1024x1xbf16> to vector<1024x1xf32>
    %get3A_36 = arith.constant 0 : index
    %get3A_37 = arith.constant 4096 : index
    %get3A_38 = vector.load %arg2[%get3A_36, %get3A_37] : memref<64x8192xf32, #tpu.memory_space<vmem>>, vector<64x4096xf32>
    %get3A_39 = arith.constant 0 : index
    %get3A_40 = arith.constant 4096 : index
    %get3A_41 = vector.load %arg4[%get3A_39, %get3A_40] : memref<1x8192xf32, #tpu.memory_space<vmem>>, vector<1x4096xf32>
    %dot_general3A_42 = arith.constant dense<0.000000e+00> : vector<1024x4096xf32>
    %dot_general3A_43 = tpu.matmul %get3A_1, %get3A_38, %dot_general3A_42 {dimension_numbers = #tpu.dot_dimension_numbers<[1], [0], [0], [1], [0, 0, 1, 1], [], []>, transpose_lhs_hint = false} : vector<1024x64xf32>, vector<64x4096xf32>, vector<1024x4096xf32> -> vector<1024x4096xf32>
    %add3A_44 = vector.broadcast %get3A_4 : vector<1024x1xf32> to vector<1024x4096xf32>
    %add3A_45 = arith.addf %add3A_44, %dot_general3A_43 : vector<1024x4096xf32>
    %add3A_46 = vector.broadcast %get3A_41 : vector<1x4096xf32> to vector<1024x4096xf32>
    %add3A_47 = arith.addf %add3A_45, %add3A_46 : vector<1024x4096xf32>
    %max3A_48 = arith.constant 9.99999996E-13 : f32
    %max3A_49 = vector.broadcast %max3A_48 : f32 to vector<1024x4096xf32>
    %max3A_50 = arith.maximumf %add3A_47, %max3A_49 : vector<1024x4096xf32>
    %rsqrt3A_51 = math.rsqrt %max3A_50 : vector<1024x4096xf32>
    %mul3A_52 = arith.mulf %max3A_50, %rsqrt3A_51 : vector<1024x4096xf32>
    %reduce_min3A_53 = arith.constant dense<0x7F800000> : vector<1024xf32>
    %reduce_min3A_54 = vector.multi_reduction <minimumf>, %mul3A_52, %reduce_min3A_53 [1] : vector<1024x4096xf32> to vector<1024xf32>
    %broadcast_in_dim3A_55 = vector.shape_cast %reduce_min3A_54 : vector<1024xf32> to vector<1024x1xf32>
    %iota3A_56 = tpu.iota {dimensions = array<i32: 1>} : vector<1024x4096xi32>
    %convert_element_type3A_57 = arith.sitofp %iota3A_56 : vector<1024x4096xi32> to vector<1024x4096xf32>
    %eq3A_58 = vector.broadcast %broadcast_in_dim3A_55 : vector<1024x1xf32> to vector<1024x4096xf32>
    %eq3A_59 = arith.cmpf oeq, %mul3A_52, %eq3A_58 : vector<1024x4096xf32>
    %jit3A_60 = arith.constant 8.192000e+03 : f32
    %broadcast_in_dim3A_61 = vector.broadcast %jit3A_60 : f32 to vector<1024x4096xf32>
    %select_n3A_62 = arith.select %eq3A_59, %convert_element_type3A_57, %broadcast_in_dim3A_61 : vector<1024x4096xi1>, vector<1024x4096xf32>
    %reduce_min3A_63 = arith.constant dense<0x7F800000> : vector<1024xf32>
    %reduce_min3A_64 = vector.multi_reduction <minimumf>, %select_n3A_62, %reduce_min3A_63 [1] : vector<1024x4096xf32> to vector<1024xf32>
    %broadcast_in_dim3A_65 = vector.shape_cast %reduce_min3A_64 : vector<1024xf32> to vector<1024x1xf32>
    %add3A_66 = arith.constant 4.096000e+03 : f32
    %add3A_67 = vector.broadcast %add3A_66 : f32 to vector<1024x1xf32>
    %add3A_68 = arith.addf %broadcast_in_dim3A_65, %add3A_67 : vector<1024x1xf32>
    %lt3A_69 = arith.cmpf olt, %broadcast_in_dim3A_55, %convert_element_type3A_35 : vector<1024x1xf32>
    %eq3A_70 = arith.cmpf oeq, %broadcast_in_dim3A_55, %convert_element_type3A_35 : vector<1024x1xf32>
    %lt3A_71 = arith.cmpf olt, %add3A_68, %select_n3A_32 : vector<1024x1xf32>
    %and3A_72 = arith.andi %eq3A_70, %lt3A_71 : vector<1024x1xi1>
    %or3A_73 = arith.ori %lt3A_69, %and3A_72 : vector<1024x1xi1>
    %select_n3A_74 = arith.select %or3A_73, %add3A_68, %select_n3A_32 : vector<1024x1xi1>, vector<1024x1xf32>
    %convert_element_type3A_75 = arith.fptosi %select_n3A_74 : vector<1024x1xf32> to vector<1024x1xi32>
    %swap3A = arith.constant 0 : index
    %swap3A_76 = arith.constant 0 : index
    %swap3A_77 = vector.load %arg5[%swap3A, %swap3A_76] : memref<1024x1xi32, #tpu.memory_space<vmem>>, vector<1024x1xi32>
    tpu.vector_store %arg5[%swap3A, %swap3A_76], %convert_element_type3A_75 {strides = array<i32>} : memref<1024x1xi32, #tpu.memory_space<vmem>>, vector<1024x1xi32>,
    return
  }
  func.func @transform_0(%arg0: i32) -> (i32, i32) {
    %c0_i32 = arith.constant 0 : i32
    %c0_i32_0 = arith.constant 0 : i32
    return %arg0, %c0_i32 : i32, i32
  }
  func.func @transform_1(%arg0: i32) -> (i32, i32) {
    %c0_i32 = arith.constant 0 : i32
    %c0_i32_0 = arith.constant 0 : i32
    %c0_i32_1 = arith.constant 0 : i32
    return %c0_i32, %c0_i32_0 : i32, i32
  }
  func.func @transform_2(%arg0: i32) -> (i32, i32) {
    %c0_i32 = arith.constant 0 : i32
    %c0_i32_0 = arith.constant 0 : i32
    return %arg0, %c0_i32 : i32, i32
  }
  func.func @transform_3(%arg0: i32) -> (i32, i32) {
    %c0_i32 = arith.constant 0 : i32
    %c0_i32_0 = arith.constant 0 : i32
    %c0_i32_1 = arith.constant 0 : i32
    return %c0_i32, %c0_i32_0 : i32, i32
  }
  func.func @transform_4(%arg0: i32) -> (i32, i32) {
    %c0_i32 = arith.constant 0 : i32
    %c0_i32_0 = arith.constant 0 : i32
    return %arg0, %c0_i32 : i32, i32
  }
}

</mosaic_0001>

<sc_bundles>
// kernel: kernel.4.cloned.1.call-start
scs
__scs_entry_jumppad:
0x0: {  	(pc) =	sbr.rel $0x88, $3  }
0x1: {  	(tag) =	ssettag $0x0;
	lr =	simm.s32 $0x1  }
0x2: {  	[smem:$0x3F9F] =	sst lr;
	_ =	strace $0xD0000000  }
0x3: {  	_ = 	snop  }
0x4: {  	_ = 	snop  }
0x5: {  	_ = 	snop  }
0x6: {  	_ = 	snop  }
0x7: {  	_ = 	snop  }
__scs_overlays_trampoline_lowered:
0x8: {  	[smem:$0x3FAE] =	sst s0  }
0x9: {  	[smem:$0x3FAF] =	sst s1  }
0xa: {  	[smem:$0x3FB0] =	sst s2  }
0xb: {  	[smem:$0x3FB1] =	sst s3  }
0xc: {  	[smem:$0x3FB2] =	sst s4  }
0xd: {  	[smem:$0x3FB3] =	sst s5  }
0xe: {  	[smem:$0x3FB4] =	sst s6  }
0xf: {  	[smem:$0x3FB5] =	sst s7  }
0x10: {  	[smem:$0x3FB6] =	sst s8  }
0x11: {  	[smem:$0x3FB7] =	sst s9;
	s0 =	simm.s32 @!p0 $0x0  }
0x12: {  	s1 =	sld [smem:$0x3F9D];
	s0 =	simm.s32 @p0 $0x1  }
0x13: {  	[smem:$0x3FB8] =	sst s0;
	s0 =	simm.s32 @!p1 $0x0  }
0x14: {  	s2 =	sld [smem:$0x3F9C];
	s0 =	simm.s32 @p1 $0x1  }
0x15: {  	[smem:$0x3FB9] =	sst s0;
	s0 =	simm.s32 @!p2 $0x0  }
0x16: {  	s3 =	sld [smem:$0x3FDB];
	s0 =	simm.s32 @p2 $0x1  }
0x17: {  	s4 =	simm.s32 $0x1BF5;
	[smem:$0x3FBB] =	sst s0  }
0x18: {  	s0 =	sld [smem:$0x3F9E];
	_ =	swait.ge [sflag:s4], $0x0  }
0x19: {  	s7 =	sld [smem:$0x3F9F]  }
0x1a: {  	s8 =	sadd.s32 $0xFFFFE003, lr  }
0x1b: {  	s9 =	sadd.s32 $0xFFFFFEF7, lr;
	s5 =	simm.s32 $0xFFFFFFFF;
	p2 =	slt.u32 s8, $0xFFFFF086  }
0x1c: {  	p1 =	slt.u32 s9, $0xF7A;
	s5 =	simm.s32 @!p2 $0x0  }
0x1d: {  	s5 =	simm.s32 @p1 $0x1;
	p0 =	seq.s32 s7, s2  }
0x1e: {  	s7 =	smul.u32 @!p0 $0xF7A, s2;
	p2 =	seq.s32 @!p0 s5, $0x0  }
0x1f: {  	s9 =	smul.u32 $0xF7A, s1;
	s8 =	simm.s32 @!p0 $0x1BF5;
	p2 =	por !p2, p0  }
0x20: {  	[sflag:s8] =	ssyncset.s32 @!p0 $0xFFFFF086;
	s6 =	sadd.s32 @!p0 s3, s7;
	s7 =	simm.s32 @!p0 $0x108  }
0x21: {  	s3 =	sadd.s32 s3, s9;
	s6 =	sadd.s32 @!p0 $0x88, s6;
	s7 =	simm.s32 @p2 $0x1082  }
0x22: {  	[simem:s7], [sflag:s8] =	dma.local @!p0 [hbm:s6], $0xF7A  }
0x23: {  	s9 =	sor.u32 $0xD0000000, s2;
	s6 =	simm.s32 $0x108;
	_ =	swait.ge @!p0 [sflag:s8], $0x0  }
0x24: {  	s3 =	sadd.s32 $0x88, s3;
	s6 =	simm.s32 @!p1 $0x1082;
	[sflag:s4] =	ssyncset.s32 $0xFFFFF086  }
0x25: {  	[simem:s6], [sflag:s4] =	dma.local [hbm:s3], $0xF7A  }
0x26: {  	[smem:$0x3F9F] =	sst s1;
	(tag) =	ssettag s2;
	_ =	strace s9  }
0x27: {  	s1 =	sld [smem:$0x3FAF]  }
0x28: {  	s2 =	sld [smem:$0x3FB0]  }
0x29: {  	s4 =	sld [smem:$0x3FB2]  }
0x2a: {  	p0 =	seq.s32 s5, $0x0;
	s5 =	sld [smem:$0x3FB3]  }
0x2b: {  	s6 =	sld [smem:$0x3FB4]  }
0x2c: {  	s7 =	sld [smem:$0x3FB5]  }
0x2d: {  	s3 =	simm.s32 $0x108;
	s8 =	sld [smem:$0x3FB6]  }
0x2e: {  	s3 =	simm.s32 @!p0 $0x1082;
	s9 =	sld [smem:$0x3FB7]  }
0x2f: {  	lr =	sadd.s32 s0, s3;
	s0 =	sld [smem:$0x3FAE]  }
0x30: {  	s3 =	sld [smem:$0x3FB1]  }
0x31: {  	[smem:$0x3FBA] =	sst s10  }
0x32: {  	s10 =	sld [smem:$0x3FB8];
	_ =	sdelay $0x3  }
0x33: {  	p0 =	seq.s32 s10, $0x1;
	s10 =	sld [smem:$0x3FBA];
	_ =	sdelay $0x3  }
0x34: {  	[smem:$0x3FBA] =	sst s10  }
0x35: {  	s10 =	sld [smem:$0x3FB9];
	_ =	sdelay $0x3  }
0x36: {  	p1 =	seq.s32 s10, $0x1;
	s10 =	sld [smem:$0x3FBA];
	_ =	sdelay $0x3  }
0x37: {  	[smem:$0x3FBA] =	sst s10  }
0x38: {  	s10 =	sld [smem:$0x3FBB]  }
0x39: {  	_ = 	snop;
	(pc) =	sbr.ind lr, $3  }
0x3a: {  	_ = 	snop  }
0x3b: {  	_ = 	snop  }
0x3c: {  	p2 =	seq.s32 s10, $0x1;
	s10 =	sld [smem:$0x3FBA]  }
0x3d: {  	_ =	shalt  }
0x3e: {  	_ =	shalt  }
0x3f: {  	_ =	shalt  }
0x40: {  	_ =	shalt  }
0x41: {  	_ =	shalt  }
0x42: {  	_ =	shalt  }
0x43: {  	_ =	shalt  }
0x44: {  	_ =	shalt  }
0x45: {  	_ =	shalt  }
0x46: {  	_ =	shalt  }
0x47: {  	_ =	shalt  }
0x48: {  	_ =	shalt  }
0x49: {  	_ =	shalt  }
0x4a: {  	_ =	shalt  }
0x4b: {  	_ =	shalt  }
0x4c: {  	_ =	shalt  }
0x4d: {  	_ =	shalt  }
0x4e: {  	_ =	shalt  }
0x4f: {  	_ =	shalt  }
0x50: {  	_ =	shalt  }
0x51: {  	_ =	shalt  }
0x52: {  	_ =	shalt  }
0x53: {  	_ =	shalt  }
0x54: {  	_ =	shalt  }
0x55: {  	_ =	shalt  }
0x56: {  	_ =	shalt  }
0x57: {  	_ =	shalt  }
0x58: {  	_ =	shalt  }
0x59: {  	_ =	shalt  }
0x5a: {  	_ =	shalt  }
0x5b: {  	_ =	shalt  }
0x5c: {  	_ =	shalt  }
0x5d: {  	_ =	shalt  }
0x5e: {  	_ =	shalt  }
0x5f: {  	_ =	shalt  }
0x60: {  	_ =	shalt  }
0x61: {  	_ =	shalt  }
0x62: {  	_ =	shalt  }
0x63: {  	_ =	shalt  }
0x64: {  	_ =	shalt  }
0x65: {  	_ =	shalt  }
0x66: {  	_ =	shalt  }
0x67: {  	_ =	shalt  }
0x68: {  	_ =	shalt  }
0x69: {  	_ =	shalt  }
0x6a: {  	_ =	shalt  }
0x6b: {  	_ =	shalt  }
0x6c: {  	_ =	shalt  }
0x6d: {  	_ =	shalt  }
0x6e: {  	_ =	shalt  }
0x6f: {  	_ =	shalt  }
0x70: {  	_ =	shalt  }
0x71: {  	_ =	shalt  }
0x72: {  	_ =	shalt  }
0x73: {  	_ =	shalt  }
0x74: {  	_ =	shalt  }
0x75: {  	_ =	shalt  }
0x76: {  	_ =	shalt  }
0x77: {  	_ =	shalt  }
0x78: {  	_ =	shalt  }
0x79: {  	_ =	shalt  }
0x7a: {  	_ =	shalt  }
0x7b: {  	_ =	shalt  }
0x7c: {  	_ =	shalt  }
0x7d: {  	_ =	shalt  }
0x7e: {  	_ =	shalt  }
0x7f: {  	_ =	shalt  }
0x80: {  	_ =	shalt  }
0x81: {  	_ =	shalt  }
0x82: {  	_ =	shalt  }
0x83: {  	_ =	shalt  }
0x84: {  	_ =	shalt  }
0x85: {  	_ =	shalt  }
0x86: {  	_ =	shalt  }
0x87: {  	_ =	shalt  }
.Lfunc_end0:
.L_simem_size_0:
called_computation_lowered:
.L_overlay_start_0:
0x88: {  	s2 =	sld [smem:$0x3FD9]  }
0x89: {  	s3 =	sld [smem:$0x3FFE];
	_ =	sdelay $0x1  }
0x8a: {  	s1 =	srdreg.scid  }
0x8b: {  	s0 =	sand.u32 $0x1, s1  }
0x8c: {  	s14 =	sshll.u32 s0, $0xA;
	s2 =	sadd.s32 s3, s2  }
0x8d: {  	s2 =	sadd.s32 s2, s14  }
0x8e: {  	[smem:$0x3FC6] =	sst s2  }
0x8f: {  	_ = 	snop  }
0x90: {  	s2 =	sld [smem:$0x3FD0];
	_ =	sdelay $0x2  }
0x91: {  	s15 =	simm.s32 $0xA;
	s4 =	simm.s32 $0x10  }
0x92: {  	[smem:s4], [sflag:s15] =	dma.local [hbm:s2], $0x1  }
0x93: {  	_ =	swait.eq [sflag:s15], $0x1  }
0x94: {  	[sflag:s15] =	ssyncset.done $0x0  }
0x95: {  	[sflag:s15] =	ssyncadd.s32 $0xFFFFFFFF  }
0x96: {  	s16 =	sld [smem:$0x10];
	(tm) =	ssettm $0x1  }
0x97: {  	s17 =	sld [smem:$0x3FFB];
	_ =	sdelay $0x3  }
0x98: {  	_ =	strace s17  }
0x99: {  	s3 =	sld [smem:$0x3FFC];
	_ =	sdelay $0x3  }
0x9a: {  	_ =	strace s3  }
0x9b: {  	s3 =	sld [smem:$0x3FFD];
	_ =	sdelay $0x3  }
0x9c: {  	_ =	strace s3  }
0x9d: {  	_ =	strace $0x8FFFFFFF  }
0x9e: {  	s18 =	sld [smem:$0x3FDB];
	_ =	sdelay $0x1  }
0x9f: {  	s19 =	simm.s32 $_scs_section_size  }
0xa0: {  	s5 =	simm.s32 $_size__tile_overlayer_lowered;
	s6 =	simm.s32 $_tile_overlayer_lowered  }
0xa1: {  	s22 =	simm.s32 $0x1BFF;
	s21 =	sshll.u32 s6, $0x1;
	s3 =	sadd.s32 s19, s18  }
0xa2: {  	s7 =	simm.s32 $0x0;
	s20 =	sshll.u32 s5, $0x1;
	s5 =	sadd.s32 s21, s3  }
0xa3: {  	[timem:s7], [sflag:s22] =	dma.local [hbm:s5], s20  }
0xa4: {  	_ =	swait.ge [sflag:s22], s20  }
0xa5: {  	s4 =	ssub.s32 $0x0, s20;
	[sflag:s22] =	ssyncset.done $0x0  }
0xa6: {  	[sflag:s22] =	ssyncadd.s32 s4;
	_ =	sdelay $0x1  }
0xa7: {  	s23 =	simm.s32 $0x1B8B  }
0xa8: {  	_ =	swait.ge [sflag:s23], $0x1  }
0xa9: {  	[sflag:s23] =	ssyncset.done $0x0  }
0xaa: {  	s25 =	simm.s32 $0x1B8E;
	s24 =	sld [smem:$0x3FFE];
	[sflag:s23] =	ssyncadd.s32 $0xFFFFFFFF  }
0xab: {  	s26 =	simm.s32 $execute0_lowered;
	[smem:$0x3FD2] =	sst s25  }
0xac: {  	s5 =	sshll.u32 s26, $0x1;
	_ =	strace $0x80000046;
	[dreg:$0x1] =	wrdreg $0xFFFFFFFF  }
0xad: {  	s28 =	simm.s32 $_size_execute0_lowered;
	s3 =	sadd.s32 s3, s5;
	[dreg:$0x0] =	wrdreg $0x0  }
0xae: {  	s5 =	sshll.u32 s28, $0x1;
	[dreg:$0x2] =	wrdreg s3  }
0xaf: {  	[dreg:$0x3] =	wrdreg s5  }
0xb0: {  	[dreg:$0x4] =	wrdreg $0xC0  }
0xb1: {  	_ =	task [dreg:s7], $0x5FFFF  }
0xb2: {  	[dreg:$0x1] =	wrdreg $0xFFFFFFFF  }
0xb3: {  	[dreg:$0x0] =	wrdreg $0x60  }
0xb4: {  	[dreg:$0x2] =	wrdreg s24  }
0xb5: {  	[dreg:$0x3] =	wrdreg s16  }
0xb6: {  	[dreg:$0x4] =	wrdreg $0x9  }
0xb7: {  	_ =	task.clear_ibuf [dreg:s7], $0x5FFFF;
	_ =	strace $0x90000046  }
0xb8: {  	s29 =	simm.s32 $0x9;
	_ =	strace $0x80000048  }
0xb9: {  	_ =	swait.ge [sflag:s29], $0x1  }
0xba: {  	[sflag:s29] =	ssyncadd.s32 $0xFFFFFFFF  }
0xbb: {  	_ =	strace $0x90000048  }
0xbc: {  	_ =	sfence  }
0xbd: {  	s30 =	sld [smem:$0x0];
	_ =	sdelay $0x2  }
0xbe: {  	s31 =	sshll.u32 s1, $0xD;
	s1 =	sshrl.u32 s1, $0x2  }
0xbf: {  	s3 =	sand.u32 $0x4000, s31;
	s1 =	sadd.s32 s1, s30  }
0xc0: {  	s0 =	sor.u32 s3, s0;
	s1 =	sshll.u32 s1, $0x11  }
0xc1: {  	s0 =	sor.u32 s1, s0  }
0xc2: {  	s0 =	sadd.s32 $0x8F2B, s0  }
0xc3: {  	[sflag:s0] =	ssyncadd.remote.s32 $0x1  }
0xc4: {  	_ =	sfence.sel $0xFFFF  }
0xc5: {  	[dreg:$0x0] =	wrdreg $0xFFFFFFFF;
	(pc) =	sbr.abs _section_cstart, $3  }
0xc6: {  	[dreg:$0x1] =	wrdreg $0xFFFFFFFF  }
0xc7: {  	_ =	task.clear_ibuf [dreg:s7], $0x2FFFF;
	_ =	strace $0x9FFFFFFF  }
0xc8: {  	(tm) =	ssettm $0x7FFFFFFF  }
0xc9: {  	_ =	shalt  }
tec
execute0_lowered:
.L_overlay_start_1:
0x0: {  	(tag) =	ssettag $0x1  }
0x1: {  	s5 =	rddreg [dreg:$0x0]  }
0x2: {  	s1 =	srdreg.scid;
	s0 =	stileid.u32  }
0x3: {  	s10 =	rddreg [dreg:$0x1];
	s11 =	sand.u32 $0x1, s1;
	s3 =	sshll.u32 s0, $0x1  }
0x4: {  	s2 =	simm.s32 $0x0;
	s1 =	rddreg [dreg:$0x2];
	s12 =	sor.u32 s11, s3  }
0x5: {  	[smem:$0x7FF] =	sst s2;
	s3 =	sshll.u32 s12, $0x5  }
0x6: {  	_ =	strace $0x80000047;
	s4 =	sadd.s32 s5, s3;
	s3 =	simm.s32 $0x2  }
0x7: {  	[tilespmem:s2], [sflag:$0x2] =	stream.linear.gather [hbm4b:s4+s2], $0x100, $0x38;
	[tilespmem:$0x8100] =	vst v63  }
0x8: {  	_ =	swait.ge [sflag:s3], $0x100  }
0x9: {  	s6 =	simm.s32 $0x80;
	[sflag:s3] =	ssyncset.done $0x0  }
0xa: {  	s7 =	simm.s32 $0x100;
	s5 =	sadd.s32 $0x400, s5;
	[sflag:s3] =	ssyncadd.s32 $0xFFFFFF00  }
0xb: {  	[tilespmem:s7], [sflag:$0x1] =	stream.indirect.gather [hbm4b:s5+s6], $0x80, s2, s6, $0xb8;
	[tilespmem:$0x8100] =	vst v63  }
0xc: {  	s8 =	simm.s32 $0x4100;
	s9 =	simm.s32 $0x1;
	s11 =	ssub.s32 $0x2, s11  }
0xd: {  	[tilespmem:s8], [sflag:$0x1] =	stream.indirect.gather [hbm4b:s5+s6], $0x80, s6, s6, $0xb8;
	[tilespmem:$0x8100] =	vst v63  }
0xe: {  	s13 =	sshrl.u32 s11, $0x1;
	_ =	swait.ge [sflag:s9], $0x4000  }
0xf: {  	s11 =	ssub.s32 s11, s13;
	[sflag:s9] =	ssyncset.done $0x0  }
0x10: {  	s11 =	smax.u32 s11, $0x1;
	[sflag:s9] =	ssyncadd.s32 $0xFFFFC000  }
0x11: {  	p0 =	sne.s32 s11, $0x1;
	_ =	swait.ge [sflag:s9], $0x4000  }
.Ltmp0:
0x12: {  	s12 =	sshll.u32 s12, $0xC;
	[sflag:s9] =	ssyncset.done $0x0;
	(pc) =	sbr.rel @!p0 .LBB2_2-.Ltmp0, $4  }
0x13: {  	s10 =	sadd.s32 s10, s12;
	[sflag:s9] =	ssyncadd.s32 $0xFFFFC000  }
0x14: {  	[hbm4b:s10+s2] =	stream.linear.scatter [tilespmem:s7], [sflag:$0x2], $0x8000, $0x38;
	[tilespmem:$0x8100] =	vst v63  }
0x15: {  	_ =	swait.ge [sflag:s3], $0x8000  }
0x16: {  	s11 =	sadd.s32 $0xFFFFFFFF, s11;
	[sflag:s3] =	ssyncset.done $0x0  }
.LBB2_1:
0x17: {  	p0 =	sne.s32 s11, $0x1;
	s11 =	sadd.s32 $0xFFFFFFFF, s11;
	[sflag:s3] =	ssyncadd.s32 $0xFFFF8000  }
0x18: {  	[tilespmem:s2], [sflag:$0x2] =	stream.linear.gather [hbm4b:s4+s2], $0x100, $0x38;
	[tilespmem:$0x8100] =	vst v63  }
0x19: {  	_ =	swait.ge [sflag:s3], $0x100  }
0x1a: {  	[sflag:s3] =	ssyncset.done $0x0  }
0x1b: {  	[sflag:s3] =	ssyncadd.s32 $0xFFFFFF00  }
0x1c: {  	[tilespmem:s7], [sflag:$0x1] =	stream.indirect.gather [hbm4b:s5+s6], $0x80, s2, s6, $0xb8;
	[tilespmem:$0x8100] =	vst v63  }
0x1d: {  	_ = 	snop  }
0x1e: {  	[tilespmem:s8], [sflag:$0x1] =	stream.indirect.gather [hbm4b:s5+s6], $0x80, s6, s6, $0xb8;
	[tilespmem:$0x8100] =	vst v63  }
0x1f: {  	_ =	swait.ge [sflag:s9], $0x4000  }
0x20: {  	[sflag:s9] =	ssyncset.done $0x0  }
0x21: {  	[sflag:s9] =	ssyncadd.s32 $0xFFFFC000  }
0x22: {  	_ =	swait.ge [sflag:s9], $0x4000  }
.Ltmp1:
0x23: {  	[sflag:s9] =	ssyncset.done $0x0;
	(pc) =	sbr.rel @p0 .LBB2_1-.Ltmp1, $4  }
0x24: {  	[sflag:s9] =	ssyncadd.s32 $0xFFFFC000  }
0x25: {  	[hbm4b:s10+s2] =	stream.linear.scatter [tilespmem:s7], [sflag:$0x2], $0x8000, $0x38;
	[tilespmem:$0x8100] =	vst v63  }
0x26: {  	_ =	swait.ge [sflag:s3], $0x8000  }
0x27: {  	[sflag:s3] =	ssyncset.done $0x0  }
.LBB2_2:
0x28: {  	[sflag:s3] =	ssyncadd.s32 $0xFFFF8000  }
0x29: {  	_ =	sfence.sel $0x180000  }
0x2a: {  	[bflag:$0x0] =	sbarrier.arrive $0xFFFF  }
0x2b: {  	p0 =	sne.s32 s0, $0x0;
	_ =	strace $0x90000047  }
0x2c: {  	s0 =	sadd.s32 @!p0 $0x100000, s1;
	[bflag:$0x2] =	sbarrier.arrive $0xFFFF  }
0x2d: {  	[sflag:s0] =	ssyncadd.tile.s32 @!p0 $0x1;
	_ =	shalt  }
.Lfunc_end2:
_tile_overlayer_lowered:
.L_overlay_start_2:
0x2e: {  	(tag) =	ssettag $0x2  }
0x2f: {  	s0 =	rddreg [dreg:$0x0];
	s2 =	stileid.u32  }
0x30: {  	s1 =	rddreg [dreg:$0x1];
	p0 =	sne.s32 s2, $0x0  }
0x31: {  	s3 =	rddreg [dreg:$0x2];
	[bflag:$0x3] =	sbarrier.arrive $0xFFFF;
	s2 =	simm.s32 @!p0 $0x1C02  }
0x32: {  	[timem:s3], [sflag:s2] =	dma.local @!p0 [hbm:s0], s1  }
0x33: {  	s0 =	simm.s32 @!p0 $0x2  }
0x34: {  	_ =	swait.ge @!p0 [sflag:s0], s1  }
0x35: {  	s1 =	ssub.s32 @!p0 $0x0, s1;
	[sflag:s0] =	ssyncset.done @!p0 $0x0  }
0x36: {  	[sflag:s0] =	ssyncadd.s32 @!p0 s1  }
0x37: {  	[bflag:$0x3] =	sbarrier.arrive $0xFFFF  }
0x38: {  	_ =	shalt  }

</sc_bundles>
